<compile_context>
chip_gen: v7x
topology: tpu7x:2x2x1
jax: 0.10.2.dev20260603
libtpu: 0.0.44.dev20260713+nightly
codegen_flags: <defaults>
</compile_context>

<pallas_src>
import functools

import jax
import jax.numpy as jnp
from jax import lax
from jax.experimental import pallas as pl
from jax.experimental.pallas import tpu as pltpu
from jax.experimental.pallas import tpu_sc as plsc

_V = 100000
_D = 4096
_B = 128
_SOFTCAP = 30.0
_K = 64
_CAP = 128
_TV = 512
_RB = 8



def _matmul_body(hs_ref, emb_ref, temp_ref, out_ref):
    h = hs_ref[...]
    e = emb_ref[...]
    acc = lax.dot_general(h, e, (((1,), (1,)), ((), ())),
                          preferred_element_type=jnp.float32)
    l = jnp.tanh(acc / _SOFTCAP) * _SOFTCAP
    out_ref[...] = l / temp_ref[...]


def _logits_kernel(hs, emb, temps2d):
    nt = pl.cdiv(_V, _TV)
    return pl.pallas_call(
        _matmul_body,
        grid=(nt,),
        in_specs=[
            pl.BlockSpec((_B, _D), lambda i: (0, 0)),
            pl.BlockSpec((_TV, _D), lambda i: (i, 0)),
            pl.BlockSpec((_B, 1), lambda i: (0, 0)),
        ],
        out_specs=pl.BlockSpec((_B, _TV), lambda i: (0, i)),
        out_shape=jax.ShapeDtypeStruct((_B, _V), jnp.float32),
        compiler_params=pltpu.CompilerParams(
            dimension_semantics=("arbitrary",)),
    )(hs, emb, temps2d)



def _select_body(l_ref, t_ref, m_ref, z_ref):
    l = l_ref[...]
    m = jnp.max(l, axis=1, keepdims=True)
    z = jnp.sum(jnp.exp(l - m), axis=1, keepdims=True)
    s = lax.bitcast_convert_type(l, jnp.int32)
    key = jnp.where(s < 0, s ^ jnp.int32(0x7FFFFFFF), s)

    cnt0 = jnp.sum((key >= 0).astype(jnp.int32), axis=1, keepdims=True)
    p0 = jnp.where(cnt0 >= _K, jnp.int32(0), jnp.int32(-2147483648))

    def step(i, p):
        cand = p | lax.shift_left(jnp.int32(1), jnp.int32(30) - i)
        cnt = jnp.sum((key >= cand).astype(jnp.int32), axis=1, keepdims=True)
        return jnp.where(cnt >= _K, cand, p)

    p = lax.fori_loop(0, 31, step, p0)
    tb = jnp.where(p < 0, p ^ jnp.int32(0x7FFFFFFF), p)
    t = lax.bitcast_convert_type(tb, jnp.float32)
    t_ref[...] = jnp.broadcast_to(t, (_RB, 128))
    m_ref[...] = jnp.broadcast_to(m, (_RB, 128))
    z_ref[...] = jnp.broadcast_to(z, (_RB, 128))


def _select_kernel(logits):
    g = _B // _RB
    shp = jax.ShapeDtypeStruct((_B, 128), jnp.float32)
    return pl.pallas_call(
        _select_body,
        grid=(g,),
        in_specs=[pl.BlockSpec((_RB, _V), lambda i: (i, 0))],
        out_specs=[pl.BlockSpec((_RB, 128), lambda i: (i, 0))] * 3,
        out_shape=[shp, shp, shp],
        compiler_params=pltpu.CompilerParams(
            dimension_semantics=("arbitrary",)),
    )(logits)



def _sc_sample(logits, params, gflat):
    info = plsc.get_sparse_core_info()
    nc, ns = info.num_cores, info.num_subcores
    nw = nc * ns
    rpw = _B // nw
    mesh = plsc.VectorSubcoreMesh(core_axis_name="c", subcore_axis_name="s")

    @functools.partial(
        pl.kernel,
        out_type=jax.ShapeDtypeStruct((nw, 16), jnp.int32),
        mesh=mesh,
        scratch_types=[
            pltpu.VMEM((_V,), jnp.float32),
            pltpu.VMEM((80,), jnp.float32),
            pltpu.VMEM((_CAP,), jnp.float32),
            pltpu.VMEM((_CAP,), jnp.int32),
            pltpu.VMEM((_CAP,), jnp.float32),
            pltpu.VMEM((_CAP,), jnp.int32),
            pltpu.VMEM((_CAP,), jnp.float32),
            pltpu.VMEM((16,), jnp.int32),
            pltpu.SemaphoreType.DMA,
        ],
        compiler_params=pltpu.CompilerParams(needs_layout_passes=False),
    )
    def k(l_hbm, par_hbm, g_hbm, out_hbm,
          row_v, par_v, cval, cidx, pval, gidx, gval, tok_v, sem):
        cid = lax.axis_index("c")
        sid = lax.axis_index("s")
        wid = sid * nc + cid
        lane = lax.iota(jnp.int32, 16)
        neginf = jnp.float32(-1e30)
        nchunks = _CAP // 16

        def do_row(kk, tok_acc):
            r = wid * rpw + kk
            pltpu.sync_copy(l_hbm.at[r], row_v)
            pltpu.sync_copy(par_hbm.at[r], par_v)

            thr_v = par_v[pl.ds(0, 16)]
            m_v = par_v[pl.ds(16, 16)]
            z_v = par_v[pl.ds(32, 16)]
            top_pv = par_v[pl.ds(48, 16)]
            top_kv = par_v[pl.ds(64, 16)].astype(jnp.int32)

            def initb(j, c):
                cval[pl.ds(j * 16, 16)] = jnp.broadcast_to(neginf, (16,))
                cidx[pl.ds(j * 16, 16)] = jnp.broadcast_to(jnp.int32(0), (16,))
                return c

            lax.fori_loop(0, nchunks, initb, jnp.int32(0))

            def comp(i, cnt):
                v = row_v[pl.ds(i * 16, 16)]
                msk = v >= thr_v
                base = jnp.minimum(cnt, jnp.broadcast_to(
                    jnp.int32(_CAP - 16), (16,)))[0]
                plsc.store_compressed(cval.at[pl.ds(base, 16)], v, mask=msk)
                plsc.store_compressed(cidx.at[pl.ds(base, 16)],
                                      lane + i * 16, mask=msk)
                return cnt + plsc.all_reduce_population_count(msk)

            lax.fori_loop(0, _V // 16, comp,
                          jnp.broadcast_to(jnp.int32(0), (16,)))

            roff = jnp.broadcast_to(r * jnp.int32(_V), (16,))

            def prep(j, c):
                cv = cval[pl.ds(j * 16, 16)]
                pval[pl.ds(j * 16, 16)] = jnp.exp(cv - m_v) / z_v
                gidx[pl.ds(j * 16, 16)] = cidx[pl.ds(j * 16, 16)] + roff
                return c

            lax.fori_loop(0, nchunks, prep, jnp.int32(0))

            pltpu.async_copy(g_hbm.at[gidx], gval, sem).wait()

            zero_i = jnp.broadcast_to(jnp.int32(0), (16,))
            zero_f = jnp.broadcast_to(jnp.float32(0.0), (16,))
            ninf_v = jnp.broadcast_to(neginf, (16,))

            def score_chunk(t, carry):
                best_v, best_i = carry
                av = cval[pl.ds(t * 16, 16)]
                ai = cidx[pl.ds(t * 16, 16)]

                def jbody(j, rc):
                    rnk, cum = rc
                    js = jnp.broadcast_to(j, (16,))
                    bvs = plsc.load_gather(cval, [js])
                    bis = plsc.load_gather(cidx, [js])
                    bps = plsc.load_gather(pval, [js])
                    gt = (bvs > av) | ((bvs == av) & (bis < ai))
                    return (rnk + gt.astype(jnp.int32),
                            cum + jnp.where(gt, bps, zero_f))

                rnk, cum = lax.fori_loop(0, _CAP, jbody, (zero_i, zero_f))
                kept = (rnk < top_kv) & (cum <= top_pv)
                gv = gval[pl.ds(t * 16, 16)]
                score = jnp.where(kept, av + gv, ninf_v)
                upd = score > best_v
                return (jnp.where(upd, score, best_v),
                        jnp.where(upd, ai, best_i))

            best_v, best_i = lax.fori_loop(0, nchunks, score_chunk,
                                           (ninf_v, zero_i))
            _, srt_i = plsc.sort_key_val(best_v, best_i, descending=True)
            tok = srt_i[0]
            return jnp.where(lane == kk, jnp.broadcast_to(tok, (16,)), tok_acc)

        tok_acc = lax.fori_loop(0, rpw, do_row,
                                jnp.broadcast_to(jnp.int32(0), (16,)))
        tok_v[...] = tok_acc
        pltpu.sync_copy(tok_v, out_hbm.at[wid])

    return k(logits, params, gflat)



def kernel(embedding, hidden_states, output_positions, temperatures,
           top_ps, top_ks):
    hs = jnp.take(hidden_states, output_positions, axis=1)
    hs = jnp.squeeze(hs, axis=1)
    logits = _logits_kernel(hs, embedding, temperatures[:, None])
    t_b, m_b, z_b = _select_kernel(logits)
    fields = jnp.stack([t_b[:, 0], m_b[:, 0], z_b[:, 0], top_ps,
                        top_ks.astype(jnp.float32)], axis=1)
    params = jnp.repeat(fields[:, :, None], 16, axis=2).reshape(_B, 80)
    g = jax.random.gumbel(jax.random.key(42), (_B, _V), jnp.float32)
    toks = _sc_sample(logits, params, g.reshape(-1))
    nw = toks.shape[0]
    next_ids = toks[:, : _B // nw].reshape(_B)
    return next_ids, logits

# --- scband reference (transcript-rebuilt; emitter-appended) ---
"""Pipeline reference for scband-sampler-46832323396476 (READ-ONLY COPY).

The authoritative reference and input builder live on the scoring server;
editing this copy changes nothing except your own understanding.
"""

import jax, jax.numpy as jnp
import numpy as np

VOCAB = 100000
D = 4096
B = 128
S = 8
SOFTCAP = 30.0


def setup_inputs(seed: int = 0) -> dict:
    key = jax.random.key(seed)
    k1, k2, k3, k4, k5, k6 = jax.random.split(key, 6)
    embedding = jax.random.normal(k1, (VOCAB, D), dtype=jnp.float32) * 0.02
    hidden_states = jax.random.normal(k2, (B, S, D), dtype=jnp.float32)
    output_positions = jax.random.randint(k3, (1,), 0, S, dtype=jnp.int32)
    temperatures = jax.random.uniform(k4, (B,), dtype=jnp.float32, minval=0.5, maxval=1.5)
    top_ps = jax.random.uniform(k5, (B,), dtype=jnp.float32, minval=0.5, maxval=1.0)
    top_ks = jax.random.randint(k6, (B,), 1, 64, dtype=jnp.int32)
    return {
        'embedding': embedding,
        'hidden_states': hidden_states,
        'output_positions': output_positions,
        'temperatures': temperatures,
        'top_ps': top_ps,
        'top_ks': top_ks,
    }


def reference(embedding, hidden_states, output_positions, temperatures, top_ps, top_ks):
    # index_select(dim=1, output_positions).squeeze(dim=1)
    hs = jnp.take(hidden_states, output_positions, axis=1)
    hs = jnp.squeeze(hs, axis=1)  # [B, D]
    # world_size == 1: scatter/reduce are identity; full matmul against embedding^T
    logits = jnp.matmul(hs, embedding.T)  # [B, VOCAB]
    # final logit softcapping
    logits = logits / SOFTCAP
    logits = jnp.tanh(logits)
    logits = logits * SOFTCAP
    # in-place temperature division (affects returned logits, as in the torch code)
    logits = logits / temperatures[:, None]
    probs = jax.nn.softmax(logits.astype(jnp.float32), axis=-1)
    # sort descending
    order = jnp.argsort(-probs, axis=-1)  # probs_idx
    probs_sort = jnp.take_along_axis(probs, order, axis=-1)
    probs_sum = jnp.cumsum(probs_sort, axis=-1)
    top_ps_mask = (probs_sum - probs_sort) > top_ps[:, None]
    probs_sort = jnp.where(top_ps_mask, 0.0, probs_sort)
    ranks = jnp.broadcast_to(jnp.arange(VOCAB)[None, :], (B, VOCAB))
    top_ks_mask = ranks >= top_ks[:, None]
    probs_sort = jnp.where(top_ks_mask, 0.0, probs_sort)
    probs_sort = probs_sort / jnp.sum(probs_sort, axis=-1, keepdims=True)
    # scatter back to original vocab order via inverse permutation
    inv = jnp.argsort(order, axis=-1)
    probs_final = jnp.take_along_axis(probs_sort, inv, axis=-1)
    # multinomial(num_samples=1)
    skey = jax.random.key(42)
    next_token_ids = jax.random.categorical(skey, jnp.log(probs_final), axis=-1)
    return next_token_ids, logits

if __name__ == "__main__":
    import jax
    _d = setup_inputs()
    print(jax.jit(kernel)(*tuple(_d.values())))

</pallas_src>

<mosaic_0001>
#map = affine_map<(d0, d1) -> (0, 0)>
#map1 = affine_map<(d0, d1) -> (0)>
module attributes {stable_mosaic.version = 14 : i64} {
  func.func @k(%arg0: i32, %arg1: i32, %arg2: memref<128x100000xf32, #tpu.memory_space<hbm>>, %arg3: memref<128x80xf32, #tpu.memory_space<hbm>>, %arg4: memref<12800000xf32, #tpu.memory_space<hbm>>, %arg5: memref<32x16xi32, #tpu.memory_space<hbm>>, %arg6: memref<100000xf32, #tpu.memory_space<vmem>>, %arg7: memref<80xf32, #tpu.memory_space<vmem>>, %arg8: memref<128xf32, #tpu.memory_space<vmem>>, %arg9: memref<128xi32, #tpu.memory_space<vmem>>, %arg10: memref<128xf32, #tpu.memory_space<vmem>>, %arg11: memref<128xi32, #tpu.memory_space<vmem>>, %arg12: memref<128xf32, #tpu.memory_space<vmem>>, %arg13: memref<16xi32, #tpu.memory_space<vmem>>, %arg14: memref<!tpu.dma_semaphore, #tpu.memory_space<semaphore_mem>>) attributes {dimension_semantics = [#tpu.dimension_semantics<core_parallel>, #tpu.dimension_semantics<subcore_parallel>], iteration_bounds = array<i64: 2, 16>, scalar_prefetch = 0 : i64, scratch_operands = 9 : i64, tpu.core_type = #tpu.core_type<sc_vector_subcore>, window_params = [{transform_indices = #map}, {transform_indices = #map}, {transform_indices = #map1}, {transform_indices = #map}]} {
    %mul3A = arith.constant 2 : i32
    %mul3A_0 = arith.muli %arg1, %mul3A : i32
    %add3A = arith.addi %mul3A_0, %arg0 : i32
    %iota3A = tpu.iota {dimensions = array<i32: 0>} : vector<16xi32>
    %broadcast_in_dim3A = arith.constant 0 : i32
    %broadcast_in_dim3A_1 = vector.broadcast %broadcast_in_dim3A : i32 to vector<16xi32>
    %scan3A = arith.constant -1.000000e+30 : f32
    %scan3A_2 = arith.constant 0 : i32
    %scan3A_3 = arith.constant 4 : i32
    %scan3A_4 = arith.addi %scan3A_2, %scan3A_3 : i32
    %scan3A_5 = arith.constant 1 : i32
    %scan3A_6 = scf.for %scan3A_9 = %scan3A_2 to %scan3A_4 step %scan3A_5 iter_args(%scan3A_10 = %broadcast_in_dim3A_1) -> (vector<16xi32>)  : i32 {
      %mul3A_11 = arith.constant 4 : i32
      %mul3A_12 = arith.muli %add3A, %mul3A_11 : i32
      %add3A_13 = arith.addi %mul3A_12, %scan3A_9 : i32
      "tpu.region"() ({
        %run_scoped3A = tpu.sem_alloc : memref<!tpu.dma_semaphore, #tpu.memory_space<semaphore_mem>>
        %dma_start3A_64 = arith.constant 0 : i32
        %dma_start3A_65 = tpu.memref_slice %arg2[%add3A_13, %dma_start3A_64] : memref<128x100000xf32, #tpu.memory_space<hbm>> -> memref<1x100000xf32, #tpu.memory_space<hbm>>
        %dma_start3A_66 = tpu.memref_squeeze %dma_start3A_65 : memref<1x100000xf32, #tpu.memory_space<hbm>> -> memref<100000xf32, #tpu.memory_space<hbm>>
        %dma_start3A_67 = arith.constant 0 : i32
        %dma_start3A_68 = tpu.memref_slice %arg2[%add3A_13, %dma_start3A_67] : memref<128x100000xf32, #tpu.memory_space<hbm>> -> memref<1x100000xf32, #tpu.memory_space<hbm>>
        %dma_start3A_69 = tpu.memref_squeeze %dma_start3A_68 : memref<1x100000xf32, #tpu.memory_space<hbm>> -> memref<100000xf32, #tpu.memory_space<hbm>>
        tpu.enqueue_dma source(%dma_start3A_69 : memref<100000xf32, #tpu.memory_space<hbm>>) target(%arg6 : memref<100000xf32, #tpu.memory_space<vmem>>) target_semaphore(%run_scoped3A : memref<!tpu.dma_semaphore, #tpu.memory_space<semaphore_mem>>)
        %dma_wait3A_70 = arith.constant 0 : i32
        %dma_wait3A_71 = tpu.memref_slice %arg2[%add3A_13, %dma_wait3A_70] : memref<128x100000xf32, #tpu.memory_space<hbm>> -> memref<1x100000xf32, #tpu.memory_space<hbm>>
        %dma_wait3A_72 = tpu.memref_squeeze %dma_wait3A_71 : memref<1x100000xf32, #tpu.memory_space<hbm>> -> memref<100000xf32, #tpu.memory_space<hbm>>
        %dma_wait3A_73 = arith.constant 0 : i32
        %dma_wait3A_74 = tpu.memref_slice %arg2[%add3A_13, %dma_wait3A_73] : memref<128x100000xf32, #tpu.memory_space<hbm>> -> memref<1x100000xf32, #tpu.memory_space<hbm>>
        %dma_wait3A_75 = tpu.memref_squeeze %dma_wait3A_74 : memref<1x100000xf32, #tpu.memory_space<hbm>> -> memref<100000xf32, #tpu.memory_space<hbm>>
        tpu.wait_dma2 semaphore(%run_scoped3A : memref<!tpu.dma_semaphore, #tpu.memory_space<semaphore_mem>>) src(%dma_wait3A_75 : memref<100000xf32, #tpu.memory_space<hbm>>) dst(%arg6 : memref<100000xf32, #tpu.memory_space<vmem>>)
        tpu.yield
      }) : () -> ()
      "tpu.region"() ({
        %run_scoped3A = tpu.sem_alloc : memref<!tpu.dma_semaphore, #tpu.memory_space<semaphore_mem>>
        %dma_start3A_64 = arith.constant 0 : i32
        %dma_start3A_65 = tpu.memref_slice %arg3[%add3A_13, %dma_start3A_64] : memref<128x80xf32, #tpu.memory_space<hbm>> -> memref<1x80xf32, #tpu.memory_space<hbm>>
        %dma_start3A_66 = tpu.memref_squeeze %dma_start3A_65 : memref<1x80xf32, #tpu.memory_space<hbm>> -> memref<80xf32, #tpu.memory_space<hbm>>
        %dma_start3A_67 = arith.constant 0 : i32
        %dma_start3A_68 = tpu.memref_slice %arg3[%add3A_13, %dma_start3A_67] : memref<128x80xf32, #tpu.memory_space<hbm>> -> memref<1x80xf32, #tpu.memory_space<hbm>>
        %dma_start3A_69 = tpu.memref_squeeze %dma_start3A_68 : memref<1x80xf32, #tpu.memory_space<hbm>> -> memref<80xf32, #tpu.memory_space<hbm>>
        tpu.enqueue_dma source(%dma_start3A_69 : memref<80xf32, #tpu.memory_space<hbm>>) target(%arg7 : memref<80xf32, #tpu.memory_space<vmem>>) target_semaphore(%run_scoped3A : memref<!tpu.dma_semaphore, #tpu.memory_space<semaphore_mem>>)
        %dma_wait3A_70 = arith.constant 0 : i32
        %dma_wait3A_71 = tpu.memref_slice %arg3[%add3A_13, %dma_wait3A_70] : memref<128x80xf32, #tpu.memory_space<hbm>> -> memref<1x80xf32, #tpu.memory_space<hbm>>
        %dma_wait3A_72 = tpu.memref_squeeze %dma_wait3A_71 : memref<1x80xf32, #tpu.memory_space<hbm>> -> memref<80xf32, #tpu.memory_space<hbm>>
        %dma_wait3A_73 = arith.constant 0 : i32
        %dma_wait3A_74 = tpu.memref_slice %arg3[%add3A_13, %dma_wait3A_73] : memref<128x80xf32, #tpu.memory_space<hbm>> -> memref<1x80xf32, #tpu.memory_space<hbm>>
        %dma_wait3A_75 = tpu.memref_squeeze %dma_wait3A_74 : memref<1x80xf32, #tpu.memory_space<hbm>> -> memref<80xf32, #tpu.memory_space<hbm>>
        tpu.wait_dma2 semaphore(%run_scoped3A : memref<!tpu.dma_semaphore, #tpu.memory_space<semaphore_mem>>) src(%dma_wait3A_75 : memref<80xf32, #tpu.memory_space<hbm>>) dst(%arg7 : memref<80xf32, #tpu.memory_space<vmem>>)
        tpu.yield
      }) : () -> ()
      %get3A = arith.constant 0 : index
      %get3A_14 = tpu.vector_load %arg7[%get3A] {strides = array<i32>} : memref<80xf32, #tpu.memory_space<vmem>>, vector<16xf32>,
      %get3A_15 = arith.constant 16 : index
      %get3A_16 = tpu.vector_load %arg7[%get3A_15] {strides = array<i32>} : memref<80xf32, #tpu.memory_space<vmem>>, vector<16xf32>,
      %get3A_17 = arith.constant 32 : index
      %get3A_18 = tpu.vector_load %arg7[%get3A_17] {strides = array<i32>} : memref<80xf32, #tpu.memory_space<vmem>>, vector<16xf32>,
      %get3A_19 = arith.constant 48 : index
      %get3A_20 = tpu.vector_load %arg7[%get3A_19] {strides = array<i32>} : memref<80xf32, #tpu.memory_space<vmem>>, vector<16xf32>,
      %get3A_21 = arith.constant 64 : index
      %get3A_22 = tpu.vector_load %arg7[%get3A_21] {strides = array<i32>} : memref<80xf32, #tpu.memory_space<vmem>>, vector<16xf32>,
      %convert_element_type3A = arith.fptosi %get3A_22 : vector<16xf32> to vector<16xi32>
      %scan3A_23 = arith.constant 0 : i32
      %scan3A_24 = arith.constant 0 : i32
      %scan3A_25 = arith.constant 8 : i32
      %scan3A_26 = arith.addi %scan3A_24, %scan3A_25 : i32
      %scan3A_27 = arith.constant 1 : i32
      scf.for %scan3A_64 = %scan3A_24 to %scan3A_26 step %scan3A_27  : i32 {
        %broadcast_in_dim3A_65 = vector.broadcast %scan3A : f32 to vector<16xf32>
        %mul3A_66 = arith.constant 16 : i32
        %mul3A_67 = arith.muli %scan3A_64, %mul3A_66 : i32
        %swap3A_68 = arith.index_cast %mul3A_67 : i32 to index
        %swap3A_69 = tpu.vector_load %arg8[%swap3A_68] {strides = array<i32>} : memref<128xf32, #tpu.memory_space<vmem>>, vector<16xf32>,
        tpu.vector_store %arg8[%swap3A_68], %broadcast_in_dim3A_65 {strides = array<i32>} : memref<128xf32, #tpu.memory_space<vmem>>, vector<16xf32>,
        %broadcast_in_dim3A_70 = arith.constant 0 : i32
        %broadcast_in_dim3A_71 = vector.broadcast %broadcast_in_dim3A_70 : i32 to vector<16xi32>
        %mul3A_72 = arith.constant 16 : i32
        %mul3A_73 = arith.muli %scan3A_64, %mul3A_72 : i32
        %swap3A_74 = arith.index_cast %mul3A_73 : i32 to index
        %swap3A_75 = tpu.vector_load %arg9[%swap3A_74] {strides = array<i32>} : memref<128xi32, #tpu.memory_space<vmem>>, vector<16xi32>,
        tpu.vector_store %arg9[%swap3A_74], %broadcast_in_dim3A_71 {strides = array<i32>} : memref<128xi32, #tpu.memory_space<vmem>>, vector<16xi32>,
      }
      %scan3A_28 = arith.constant 8 : i32
      %broadcast_in_dim3A_29 = arith.constant 0 : i32
      %broadcast_in_dim3A_30 = vector.broadcast %broadcast_in_dim3A_29 : i32 to vector<16xi32>
      %scan3A_31 = arith.constant 0 : i32
      %scan3A_32 = arith.constant 6250 : i32
      %scan3A_33 = arith.addi %scan3A_31, %scan3A_32 : i32
      %scan3A_34 = arith.constant 1 : i32
      %scan3A_35 = scf.for %scan3A_64 = %scan3A_31 to %scan3A_33 step %scan3A_34 iter_args(%scan3A_65 = %broadcast_in_dim3A_30) -> (vector<16xi32>)  : i32 {
        %mul3A_66 = arith.constant 16 : i32
        %mul3A_67 = arith.muli %scan3A_64, %mul3A_66 : i32
        %get3A_68 = arith.index_cast %mul3A_67 : i32 to index
        %get3A_69 = tpu.vector_load %arg6[%get3A_68] {strides = array<i32>} : memref<100000xf32, #tpu.memory_space<vmem>>, vector<16xf32>,
        %ge3A = arith.cmpf oge, %get3A_69, %get3A_14 : vector<16xf32>
        %broadcast_in_dim3A_70 = arith.constant 112 : i32
        %broadcast_in_dim3A_71 = vector.broadcast %broadcast_in_dim3A_70 : i32 to vector<16xi32>
        %min3A = arith.minsi %scan3A_65, %broadcast_in_dim3A_71 : vector<16xi32>
        %slice3A_72 = vector.extract_strided_slice %min3A {offsets = [0], sizes = [1], strides = [1]} : vector<16xi32> to vector<1xi32>
        %squeeze3A_73 = vector.extract %slice3A_72[0] : i32 from vector<1xi32>
        %swap3A_74 = arith.index_cast %squeeze3A_73 : i32 to index
        %swap3A_75 = tpu.vector_load %arg8[%swap3A_74] masked %ge3A {strides = array<i32>} : memref<128xf32, #tpu.memory_space<vmem>>, vector<16xf32>, vector<16xi1>
        tpu.vector_store %arg8[%swap3A_74], %get3A_69 masked %ge3A {strides = array<i32>} : memref<128xf32, #tpu.memory_space<vmem>>, vector<16xf32>, vector<16xi1>
        %mul3A_76 = arith.constant 16 : i32
        %mul3A_77 = arith.muli %scan3A_64, %mul3A_76 : i32
        %add3A_78 = vector.broadcast %mul3A_77 : i32 to vector<16xi32>
        %add3A_79 = arith.addi %iota3A, %add3A_78 : vector<16xi32>
        %swap3A_80 = arith.index_cast %squeeze3A_73 : i32 to index
        %swap3A_81 = tpu.vector_load %arg9[%swap3A_80] masked %ge3A {strides = array<i32>} : memref<128xi32, #tpu.memory_space<vmem>>, vector<16xi32>, vector<16xi1>
        tpu.vector_store %arg9[%swap3A_80], %add3A_79 masked %ge3A {strides = array<i32>} : memref<128xi32, #tpu.memory_space<vmem>>, vector<16xi32>, vector<16xi1>
        %all_reduce_population_count3A = tpu.all_reduce %ge3A {dim = 0 : i64, kind = #tpu.reduction_kind<sum>} : vector<16xi1> -> vector<16xi32>
        %add3A_82 = arith.addi %scan3A_65, %all_reduce_population_count3A : vector<16xi32>
        scf.yield %add3A_82 : vector<16xi32>
      }
      %scan3A_36 = arith.constant 6250 : i32
      %mul3A_37 = arith.constant 100000 : i32
      %mul3A_38 = arith.muli %add3A_13, %mul3A_37 : i32
      %broadcast_in_dim3A_39 = vector.broadcast %mul3A_38 : i32 to vector<16xi32>
      %scan3A_40 = arith.constant 0 : i32
      %scan3A_41 = arith.constant 0 : i32
      %scan3A_42 = arith.constant 8 : i32
      %scan3A_43 = arith.addi %scan3A_41, %scan3A_42 : i32
      %scan3A_44 = arith.constant 1 : i32
      scf.for %scan3A_64 = %scan3A_41 to %scan3A_43 step %scan3A_44  : i32 {
        %mul3A_65 = arith.constant 16 : i32
        %mul3A_66 = arith.muli %scan3A_64, %mul3A_65 : i32
        %get3A_67 = arith.index_cast %mul3A_66 : i32 to index
        %get3A_68 = tpu.vector_load %arg8[%get3A_67] {strides = array<i32>} : memref<128xf32, #tpu.memory_space<vmem>>, vector<16xf32>,
        %sub3A = arith.subf %get3A_68, %get3A_16 : vector<16xf32>
        %exp3A = math.exp %sub3A : vector<16xf32>
        %div3A = arith.divf %exp3A, %get3A_18 : vector<16xf32>
        %mul3A_69 = arith.constant 16 : i32
        %mul3A_70 = arith.muli %scan3A_64, %mul3A_69 : i32
        %swap3A_71 = arith.index_cast %mul3A_70 : i32 to index
        %swap3A_72 = tpu.vector_load %arg10[%swap3A_71] {strides = array<i32>} : memref<128xf32, #tpu.memory_space<vmem>>, vector<16xf32>,
        tpu.vector_store %arg10[%swap3A_71], %div3A {strides = array<i32>} : memref<128xf32, #tpu.memory_space<vmem>>, vector<16xf32>,
        %mul3A_73 = arith.constant 16 : i32
        %mul3A_74 = arith.muli %scan3A_64, %mul3A_73 : i32
        %get3A_75 = arith.index_cast %mul3A_74 : i32 to index
        %get3A_76 = tpu.vector_load %arg9[%get3A_75] {strides = array<i32>} : memref<128xi32, #tpu.memory_space<vmem>>, vector<16xi32>,
        %add3A_77 = arith.addi %get3A_76, %broadcast_in_dim3A_39 : vector<16xi32>
        %mul3A_78 = arith.constant 16 : i32
        %mul3A_79 = arith.muli %scan3A_64, %mul3A_78 : i32
        %swap3A_80 = arith.index_cast %mul3A_79 : i32 to index
        %swap3A_81 = tpu.vector_load %arg11[%swap3A_80] {strides = array<i32>} : memref<128xi32, #tpu.memory_space<vmem>>, vector<16xi32>,
        tpu.vector_store %arg11[%swap3A_80], %add3A_77 {strides = array<i32>} : memref<128xi32, #tpu.memory_space<vmem>>, vector<16xi32>,
      }
      %scan3A_45 = arith.constant 8 : i32
      %dma_start3A = arith.constant 0 : i32
      %dma_start3A_46 = tpu.memref_slice %arg4[%dma_start3A] : memref<12800000xf32, #tpu.memory_space<hbm>> -> memref<12800000xf32, #tpu.memory_space<hbm>>
      tpu.enqueue_indirect_dma source(%dma_start3A_46 : memref<12800000xf32, #tpu.memory_space<hbm>>) target(%arg12 : memref<128xf32, #tpu.memory_space<vmem>>) offsets(%arg11 : memref<128xi32, #tpu.memory_space<vmem>>) semaphore(%arg14 : memref<!tpu.dma_semaphore, #tpu.memory_space<semaphore_mem>>)
      %dma_wait3A = arith.constant 0 : i32
      %dma_wait3A_47 = tpu.memref_slice %arg4[%dma_wait3A] : memref<12800000xf32, #tpu.memory_space<hbm>> -> memref<12800000xf32, #tpu.memory_space<hbm>>
      tpu.wait_indirect_dma semaphore(%arg14 : memref<!tpu.dma_semaphore, #tpu.memory_space<semaphore_mem>>) src(%dma_wait3A_47 : memref<12800000xf32, #tpu.memory_space<hbm>>) dst(%arg12 : memref<128xf32, #tpu.memory_space<vmem>>)
      %broadcast_in_dim3A_48 = arith.constant 0 : i32
      %broadcast_in_dim3A_49 = vector.broadcast %broadcast_in_dim3A_48 : i32 to vector<16xi32>
      %broadcast_in_dim3A_50 = arith.constant 0.000000e+00 : f32
      %broadcast_in_dim3A_51 = vector.broadcast %broadcast_in_dim3A_50 : f32 to vector<16xf32>
      %broadcast_in_dim3A_52 = vector.broadcast %scan3A : f32 to vector<16xf32>
      %scan3A_53 = arith.constant 0 : i32
      %scan3A_54 = arith.constant 8 : i32
      %scan3A_55 = arith.addi %scan3A_53, %scan3A_54 : i32
      %scan3A_56 = arith.constant 1 : i32
      %scan3A_57:2 = scf.for %scan3A_64 = %scan3A_53 to %scan3A_55 step %scan3A_56 iter_args(%scan3A_65 = %broadcast_in_dim3A_52, %scan3A_66 = %broadcast_in_dim3A_49) -> (vector<16xf32>, vector<16xi32>)  : i32 {
        %mul3A_67 = arith.constant 16 : i32
        %mul3A_68 = arith.muli %scan3A_64, %mul3A_67 : i32
        %get3A_69 = arith.index_cast %mul3A_68 : i32 to index
        %get3A_70 = tpu.vector_load %arg8[%get3A_69] {strides = array<i32>} : memref<128xf32, #tpu.memory_space<vmem>>, vector<16xf32>,
        %mul3A_71 = arith.constant 16 : i32
        %mul3A_72 = arith.muli %scan3A_64, %mul3A_71 : i32
        %get3A_73 = arith.index_cast %mul3A_72 : i32 to index
        %get3A_74 = tpu.vector_load %arg9[%get3A_73] {strides = array<i32>} : memref<128xi32, #tpu.memory_space<vmem>>, vector<16xi32>,
        %scan3A_75 = arith.constant 0 : i32
        %scan3A_76 = arith.constant 128 : i32
        %scan3A_77 = arith.addi %scan3A_75, %scan3A_76 : i32
        %scan3A_78 = arith.constant 1 : i32
        %scan3A_79:2 = scf.for %scan3A_89 = %scan3A_75 to %scan3A_77 step %scan3A_78 iter_args(%scan3A_90 = %broadcast_in_dim3A_49, %scan3A_91 = %broadcast_in_dim3A_51) -> (vector<16xi32>, vector<16xf32>)  : i32 {
          %broadcast_in_dim3A_92 = vector.broadcast %scan3A_89 : i32 to vector<16xi32>
          %gather3A = tpu.vector_load_idx %arg8[%broadcast_in_dim3A_92] : memref<128xf32, #tpu.memory_space<vmem>>[vector<16xi32>], vector<16xf32>,
          %gather3A_93 = tpu.vector_load_idx %arg9[%broadcast_in_dim3A_92] : memref<128xi32, #tpu.memory_space<vmem>>[vector<16xi32>], vector<16xi32>,
          %gather3A_94 = tpu.vector_load_idx %arg10[%broadcast_in_dim3A_92] : memref<128xf32, #tpu.memory_space<vmem>>[vector<16xi32>], vector<16xf32>,
          %gt3A_95 = arith.cmpf ogt, %gather3A, %get3A_70 : vector<16xf32>
          %eq3A_96 = arith.cmpf oeq, %gather3A, %get3A_70 : vector<16xf32>
          %lt3A_97 = arith.cmpi slt, %gather3A_93, %get3A_74 : vector<16xi32>
          %and3A_98 = arith.andi %eq3A_96, %lt3A_97 : vector<16xi1>
          %or3A = arith.ori %gt3A_95, %and3A_98 : vector<16xi1>
          %convert_element_type3A_99 = arith.extui %or3A : vector<16xi1> to vector<16xi32>
          %add3A_100 = arith.addi %scan3A_90, %convert_element_type3A_99 : vector<16xi32>
          %select_n3A_101 = arith.select %or3A, %gather3A_94, %broadcast_in_dim3A_51 : vector<16xi1>, vector<16xf32>
          %add3A_102 = arith.addf %scan3A_91, %select_n3A_101 : vector<16xf32>
          scf.yield %add3A_100, %add3A_102 : vector<16xi32>, vector<16xf32>
        }
        %scan3A_80 = arith.constant 128 : i32
        %lt3A = arith.cmpi slt, %scan3A_79#0, %convert_element_type3A : vector<16xi32>
        %le3A = arith.cmpf ole, %scan3A_79#1, %get3A_20 : vector<16xf32>
        %and3A = arith.andi %lt3A, %le3A : vector<16xi1>
        %mul3A_81 = arith.constant 16 : i32
        %mul3A_82 = arith.muli %scan3A_64, %mul3A_81 : i32
        %get3A_83 = arith.index_cast %mul3A_82 : i32 to index
        %get3A_84 = tpu.vector_load %arg12[%get3A_83] {strides = array<i32>} : memref<128xf32, #tpu.memory_space<vmem>>, vector<16xf32>,
        %add3A_85 = arith.addf %get3A_70, %get3A_84 : vector<16xf32>
        %select_n3A_86 = arith.select %and3A, %add3A_85, %broadcast_in_dim3A_52 : vector<16xi1>, vector<16xf32>
        %gt3A = arith.cmpf ogt, %select_n3A_86, %scan3A_65 : vector<16xf32>
        %select_n3A_87 = arith.select %gt3A, %select_n3A_86, %scan3A_65 : vector<16xi1>, vector<16xf32>
        %select_n3A_88 = arith.select %gt3A, %get3A_74, %scan3A_66 : vector<16xi1>, vector<16xi32>
        scf.yield %select_n3A_87, %select_n3A_88 : vector<16xf32>, vector<16xi32>
      }
      %scan3A_58 = arith.constant 8 : i32
      %masked_sort3A = arith.constant dense<true> : vector<16xi1>
      %masked_sort3A_59, %masked_sort3A_60, %masked_sort3A_61 = tpu.sort %scan3A_57#0, %scan3A_57#1 masked %masked_sort3A {descending = true} : (vector<16xf32>, vector<16xi32>, vector<16xi1>) -> (vector<16xi1>, vector<16xf32>, vector<16xi32>)
      %slice3A = vector.extract_strided_slice %masked_sort3A_61 {offsets = [0], sizes = [1], strides = [1]} : vector<16xi32> to vector<1xi32>
      %squeeze3A = vector.extract %slice3A[0] : i32 from vector<1xi32>
      %eq3A = vector.broadcast %scan3A_9 : i32 to vector<16xi32>
      %eq3A_62 = arith.cmpi eq, %iota3A, %eq3A : vector<16xi32>
      %broadcast_in_dim3A_63 = vector.broadcast %squeeze3A : i32 to vector<16xi32>
      %select_n3A = arith.select %eq3A_62, %broadcast_in_dim3A_63, %scan3A_10 : vector<16xi1>, vector<16xi32>
      scf.yield %select_n3A : vector<16xi32>
    }
    %scan3A_7 = arith.constant 4 : i32
    %swap3A = arith.constant 0 : index
    %swap3A_8 = tpu.vector_load %arg13[%swap3A] {strides = array<i32>} : memref<16xi32, #tpu.memory_space<vmem>>, vector<16xi32>,
    tpu.vector_store %arg13[%swap3A], %scan3A_6 {strides = array<i32>} : memref<16xi32, #tpu.memory_space<vmem>>, vector<16xi32>,
    "tpu.region"() ({
      %run_scoped3A = tpu.sem_alloc : memref<!tpu.dma_semaphore, #tpu.memory_space<semaphore_mem>>
      %dma_start3A = arith.constant 0 : i32
      %dma_start3A_9 = tpu.memref_slice %arg5[%add3A, %dma_start3A] : memref<32x16xi32, #tpu.memory_space<hbm>> -> memref<1x16xi32, #tpu.memory_space<hbm>>
      %dma_start3A_10 = tpu.memref_squeeze %dma_start3A_9 : memref<1x16xi32, #tpu.memory_space<hbm>> -> memref<16xi32, #tpu.memory_space<hbm>>
      %dma_start3A_11 = arith.constant 0 : i32
      %dma_start3A_12 = tpu.memref_slice %arg5[%add3A, %dma_start3A_11] : memref<32x16xi32, #tpu.memory_space<hbm>> -> memref<1x16xi32, #tpu.memory_space<hbm>>
      %dma_start3A_13 = tpu.memref_squeeze %dma_start3A_12 : memref<1x16xi32, #tpu.memory_space<hbm>> -> memref<16xi32, #tpu.memory_space<hbm>>
      tpu.enqueue_dma source(%arg13 : memref<16xi32, #tpu.memory_space<vmem>>) target(%dma_start3A_13 : memref<16xi32, #tpu.memory_space<hbm>>) target_semaphore(%run_scoped3A : memref<!tpu.dma_semaphore, #tpu.memory_space<semaphore_mem>>)
      %dma_wait3A = arith.constant 0 : i32
      %dma_wait3A_14 = tpu.memref_slice %arg5[%add3A, %dma_wait3A] : memref<32x16xi32, #tpu.memory_space<hbm>> -> memref<1x16xi32, #tpu.memory_space<hbm>>
      %dma_wait3A_15 = tpu.memref_squeeze %dma_wait3A_14 : memref<1x16xi32, #tpu.memory_space<hbm>> -> memref<16xi32, #tpu.memory_space<hbm>>
      %dma_wait3A_16 = arith.constant 0 : i32
      %dma_wait3A_17 = tpu.memref_slice %arg5[%add3A, %dma_wait3A_16] : memref<32x16xi32, #tpu.memory_space<hbm>> -> memref<1x16xi32, #tpu.memory_space<hbm>>
      %dma_wait3A_18 = tpu.memref_squeeze %dma_wait3A_17 : memref<1x16xi32, #tpu.memory_space<hbm>> -> memref<16xi32, #tpu.memory_space<hbm>>
      tpu.wait_dma2 semaphore(%run_scoped3A : memref<!tpu.dma_semaphore, #tpu.memory_space<semaphore_mem>>) src(%arg13 : memref<16xi32, #tpu.memory_space<vmem>>) dst(%dma_wait3A_18 : memref<16xi32, #tpu.memory_space<hbm>>)
      tpu.yield
    }) : () -> ()
    return
  }
}

module attributes {stable_mosaic.version = 14 : i64} {
  func.func @_select_body(%arg0: i32, %arg1: memref<8x100000xf32, #tpu.memory_space<vmem>>, %arg2: memref<8x128xf32, #tpu.memory_space<vmem>>, %arg3: memref<8x128xf32, #tpu.memory_space<vmem>>, %arg4: memref<8x128xf32, #tpu.memory_space<vmem>>) attributes {dimension_semantics = [#tpu.dimension_semantics<arbitrary>], iteration_bounds = array<i64: 16>, scalar_prefetch = 0 : i64, scratch_operands = 0 : i64, tpu.core_type = #tpu.core_type<tc>, window_params = [{transform_indices = @transform_0, window_bounds = array<i64: 8, 100000>}, {transform_indices = @transform_1, window_bounds = array<i64: 8, 128>}, {transform_indices = @transform_2, window_bounds = array<i64: 8, 128>}, {transform_indices = @transform_3, window_bounds = array<i64: 8, 128>}]} {
    %get3A = arith.constant 0 : index
    %get3A_0 = arith.constant 0 : index
    %get3A_1 = vector.load %arg1[%get3A, %get3A_0] : memref<8x100000xf32, #tpu.memory_space<vmem>>, vector<8x100000xf32>
    %reduce_max3A = arith.constant dense<0xFF800000> : vector<8xf32>
    %reduce_max3A_2 = vector.multi_reduction <maximumf>, %get3A_1, %reduce_max3A [1] : vector<8x100000xf32> to vector<8xf32>
    %broadcast_in_dim3A = vector.shape_cast %reduce_max3A_2 : vector<8xf32> to vector<8x1xf32>
    %sub3A = vector.broadcast %broadcast_in_dim3A : vector<8x1xf32> to vector<8x100000xf32>
    %sub3A_3 = arith.subf %get3A_1, %sub3A : vector<8x100000xf32>
    %exp3A = math.exp %sub3A_3 : vector<8x100000xf32>
    %reduce_sum3A = arith.constant dense<0.000000e+00> : vector<8xf32>
    %reduce_sum3A_4 = vector.multi_reduction <add>, %exp3A, %reduce_sum3A [1] : vector<8x100000xf32> to vector<8xf32>
    %broadcast_in_dim3A_5 = vector.shape_cast %reduce_sum3A_4 : vector<8xf32> to vector<8x1xf32>
    %bitcast_convert_type3A = tpu.bitcast %get3A_1 : vector<8x100000xf32> -> vector<8x100000xi32>
    %lt3A = arith.constant 0 : i32
    %lt3A_6 = vector.broadcast %lt3A : i32 to vector<8x100000xi32>
    %lt3A_7 = arith.cmpi slt, %bitcast_convert_type3A, %lt3A_6 : vector<8x100000xi32>
    %xor3A = arith.constant 2147483647 : i32
    %xor3A_8 = vector.broadcast %xor3A : i32 to vector<8x100000xi32>
    %xor3A_9 = arith.xori %bitcast_convert_type3A, %xor3A_8 : vector<8x100000xi32>
    %select_n3A = arith.select %lt3A_7, %xor3A_9, %bitcast_convert_type3A : vector<8x100000xi1>, vector<8x100000xi32>
    %ge3A = arith.constant 0 : i32
    %ge3A_10 = vector.broadcast %ge3A : i32 to vector<8x100000xi32>
    %ge3A_11 = arith.cmpi sge, %select_n3A, %ge3A_10 : vector<8x100000xi32>
    %convert_element_type3A = arith.extui %ge3A_11 : vector<8x100000xi1> to vector<8x100000xi32>
    %reduce_sum3A_12 = arith.constant dense<0> : vector<8xi32>
    %reduce_sum3A_13 = vector.multi_reduction <add>, %convert_element_type3A, %reduce_sum3A_12 [1] : vector<8x100000xi32> to vector<8xi32>
    %broadcast_in_dim3A_14 = vector.shape_cast %reduce_sum3A_13 : vector<8xi32> to vector<8x1xi32>
    %ge3A_15 = arith.constant 64 : i32
    %ge3A_16 = vector.broadcast %ge3A_15 : i32 to vector<8x1xi32>
    %ge3A_17 = arith.cmpi sge, %broadcast_in_dim3A_14, %ge3A_16 : vector<8x1xi32>
    %jit3A = arith.constant 0 : i32
    %jit3A_18 = arith.constant -2147483648 : i32
    %broadcast_in_dim3A_19 = vector.broadcast %jit3A : i32 to vector<8x1xi32>
    %broadcast_in_dim3A_20 = vector.broadcast %jit3A_18 : i32 to vector<8x1xi32>
    %select_n3A_21 = arith.select %ge3A_17, %broadcast_in_dim3A_19, %broadcast_in_dim3A_20 : vector<8x1xi1>, vector<8x1xi32>
    %scan3A = arith.constant 0 : i32
    %scan3A_22 = arith.constant 31 : i32
    %scan3A_23 = arith.addi %scan3A, %scan3A_22 : i32
    %scan3A_24 = arith.constant 1 : i32
    %scan3A_25 = scf.for %scan3A_49 = %scan3A to %scan3A_23 step %scan3A_24 iter_args(%scan3A_50 = %select_n3A_21) -> (vector<8x1xi32>)  : i32 {
      %sub3A_51 = arith.constant 30 : i32
      %sub3A_52 = arith.subi %sub3A_51, %scan3A_49 : i32
      %shift_left3A = arith.constant 1 : i32
      %shift_left3A_53 = arith.shli %shift_left3A, %sub3A_52 : i32
      %or3A = vector.broadcast %shift_left3A_53 : i32 to vector<8x1xi32>
      %or3A_54 = arith.ori %scan3A_50, %or3A : vector<8x1xi32>
      %ge3A_55 = vector.broadcast %or3A_54 : vector<8x1xi32> to vector<8x100000xi32>
      %ge3A_56 = arith.cmpi sge, %select_n3A, %ge3A_55 : vector<8x100000xi32>
      %convert_element_type3A_57 = arith.extui %ge3A_56 : vector<8x100000xi1> to vector<8x100000xi32>
      %reduce_sum3A_58 = arith.constant dense<0> : vector<8xi32>
      %reduce_sum3A_59 = vector.multi_reduction <add>, %convert_element_type3A_57, %reduce_sum3A_58 [1] : vector<8x100000xi32> to vector<8xi32>
      %broadcast_in_dim3A_60 = vector.shape_cast %reduce_sum3A_59 : vector<8xi32> to vector<8x1xi32>
      %ge3A_61 = arith.constant 64 : i32
      %ge3A_62 = vector.broadcast %ge3A_61 : i32 to vector<8x1xi32>
      %ge3A_63 = arith.cmpi sge, %broadcast_in_dim3A_60, %ge3A_62 : vector<8x1xi32>
      %select_n3A_64 = arith.select %ge3A_63, %or3A_54, %scan3A_50 : vector<8x1xi1>, vector<8x1xi32>
      scf.yield %select_n3A_64 : vector<8x1xi32>
    }
    %scan3A_26 = arith.constant 31 : i32
    %lt3A_27 = arith.constant 0 : i32
    %lt3A_28 = vector.broadcast %lt3A_27 : i32 to vector<8x1xi32>
    %lt3A_29 = arith.cmpi slt, %scan3A_25, %lt3A_28 : vector<8x1xi32>
    %xor3A_30 = arith.constant 2147483647 : i32
    %xor3A_31 = vector.broadcast %xor3A_30 : i32 to vector<8x1xi32>
    %xor3A_32 = arith.xori %scan3A_25, %xor3A_31 : vector<8x1xi32>
    %select_n3A_33 = arith.select %lt3A_29, %xor3A_32, %scan3A_25 : vector<8x1xi1>, vector<8x1xi32>
    %bitcast_convert_type3A_34 = tpu.bitcast %select_n3A_33 : vector<8x1xi32> -> vector<8x1xf32>
    %broadcast_in_dim3A_35 = vector.shape_cast %bitcast_convert_type3A_34 : vector<8x1xf32> to vector<8x1xf32>
    %broadcast_in_dim3A_36 = vector.broadcast %broadcast_in_dim3A_35 : vector<8x1xf32> to vector<8x128xf32>
    %swap3A = arith.constant 0 : index
    %swap3A_37 = arith.constant 0 : index
    %swap3A_38 = vector.load %arg2[%swap3A, %swap3A_37] : memref<8x128xf32, #tpu.memory_space<vmem>>, vector<8x128xf32>
    tpu.vector_store %arg2[%swap3A, %swap3A_37], %broadcast_in_dim3A_36 {strides = array<i32>} : memref<8x128xf32, #tpu.memory_space<vmem>>, vector<8x128xf32>,
    %broadcast_in_dim3A_39 = vector.shape_cast %broadcast_in_dim3A : vector<8x1xf32> to vector<8x1xf32>
    %broadcast_in_dim3A_40 = vector.broadcast %broadcast_in_dim3A_39 : vector<8x1xf32> to vector<8x128xf32>
    %swap3A_41 = arith.constant 0 : index
    %swap3A_42 = arith.constant 0 : index
    %swap3A_43 = vector.load %arg3[%swap3A_41, %swap3A_42] : memref<8x128xf32, #tpu.memory_space<vmem>>, vector<8x128xf32>
    tpu.vector_store %arg3[%swap3A_41, %swap3A_42], %broadcast_in_dim3A_40 {strides = array<i32>} : memref<8x128xf32, #tpu.memory_space<vmem>>, vector<8x128xf32>,
    %broadcast_in_dim3A_44 = vector.shape_cast %broadcast_in_dim3A_5 : vector<8x1xf32> to vector<8x1xf32>
    %broadcast_in_dim3A_45 = vector.broadcast %broadcast_in_dim3A_44 : vector<8x1xf32> to vector<8x128xf32>
    %swap3A_46 = arith.constant 0 : index
    %swap3A_47 = arith.constant 0 : index
    %swap3A_48 = vector.load %arg4[%swap3A_46, %swap3A_47] : memref<8x128xf32, #tpu.memory_space<vmem>>, vector<8x128xf32>
    tpu.vector_store %arg4[%swap3A_46, %swap3A_47], %broadcast_in_dim3A_45 {strides = array<i32>} : memref<8x128xf32, #tpu.memory_space<vmem>>, vector<8x128xf32>,
    return
  }
  func.func @transform_0(%arg0: i32) -> (i32, i32) {
    %c0_i32 = arith.constant 0 : i32
    %c0_i32_0 = arith.constant 0 : i32
    return %arg0, %c0_i32 : i32, i32
  }
  func.func @transform_1(%arg0: i32) -> (i32, i32) {
    %c0_i32 = arith.constant 0 : i32
    %c0_i32_0 = arith.constant 0 : i32
    return %arg0, %c0_i32 : i32, i32
  }
  func.func @transform_2(%arg0: i32) -> (i32, i32) {
    %c0_i32 = arith.constant 0 : i32
    %c0_i32_0 = arith.constant 0 : i32
    return %arg0, %c0_i32 : i32, i32
  }
  func.func @transform_3(%arg0: i32) -> (i32, i32) {
    %c0_i32 = arith.constant 0 : i32
    %c0_i32_0 = arith.constant 0 : i32
    return %arg0, %c0_i32 : i32, i32
  }
}

module attributes {stable_mosaic.version = 14 : i64} {
  func.func @_matmul_body(%arg0: i32, %arg1: memref<128x4096xf32, #tpu.memory_space<vmem>>, %arg2: memref<512x4096xf32, #tpu.memory_space<vmem>>, %arg3: memref<128x1xf32, #tpu.memory_space<vmem>>, %arg4: memref<128x512xf32, #tpu.memory_space<vmem>>) attributes {dimension_semantics = [#tpu.dimension_semantics<arbitrary>], iteration_bounds = array<i64: 196>, scalar_prefetch = 0 : i64, scratch_operands = 0 : i64, tpu.core_type = #tpu.core_type<tc>, window_params = [{pipeline_mode = #tpu.pipeline_mode<synchronous>, transform_indices = @transform_0, window_bounds = array<i64: 128, 4096>}, {transform_indices = @transform_1, window_bounds = array<i64: 512, 4096>}, {pipeline_mode = #tpu.pipeline_mode<synchronous>, transform_indices = @transform_2, window_bounds = array<i64: 128, 1>}, {transform_indices = @transform_3, window_bounds = array<i64: 128, 512>}]} {
    %get3A = arith.constant 0 : index
    %get3A_0 = arith.constant 0 : index
    %get3A_1 = vector.load %arg1[%get3A, %get3A_0] : memref<128x4096xf32, #tpu.memory_space<vmem>>, vector<128x4096xf32>
    %get3A_2 = arith.constant 0 : index
    %get3A_3 = arith.constant 0 : index
    %get3A_4 = vector.load %arg2[%get3A_2, %get3A_3] : memref<512x4096xf32, #tpu.memory_space<vmem>>, vector<512x4096xf32>
    %dot_general3A = arith.constant dense<0.000000e+00> : vector<128x512xf32>
    %dot_general3A_5 = tpu.matmul %get3A_1, %get3A_4, %dot_general3A {dimension_numbers = #tpu.dot_dimension_numbers<[1], [1], [0], [0], [0, 0, 1, 0], [], []>, transpose_lhs_hint = false} : vector<128x4096xf32>, vector<512x4096xf32>, vector<128x512xf32> -> vector<128x512xf32>
    %div3A = arith.constant 3.000000e+01 : f32
    %div3A_6 = vector.broadcast %div3A : f32 to vector<128x512xf32>
    %div3A_7 = arith.divf %dot_general3A_5, %div3A_6 : vector<128x512xf32>
    %tanh3A = math.tanh %div3A_7 : vector<128x512xf32>
    %mul3A = arith.constant 3.000000e+01 : f32
    %mul3A_8 = vector.broadcast %mul3A : f32 to vector<128x512xf32>
    %mul3A_9 = arith.mulf %tanh3A, %mul3A_8 : vector<128x512xf32>
    %get3A_10 = arith.constant 0 : index
    %get3A_11 = arith.constant 0 : index
    %get3A_12 = vector.load %arg3[%get3A_10, %get3A_11] : memref<128x1xf32, #tpu.memory_space<vmem>>, vector<128x1xf32>
    %div3A_13 = vector.broadcast %get3A_12 : vector<128x1xf32> to vector<128x512xf32>
    %div3A_14 = arith.divf %mul3A_9, %div3A_13 : vector<128x512xf32>
    %swap3A = arith.constant 0 : index
    %swap3A_15 = arith.constant 0 : index
    %swap3A_16 = vector.load %arg4[%swap3A, %swap3A_15] : memref<128x512xf32, #tpu.memory_space<vmem>>, vector<128x512xf32>
    tpu.vector_store %arg4[%swap3A, %swap3A_15], %div3A_14 {strides = array<i32>} : memref<128x512xf32, #tpu.memory_space<vmem>>, vector<128x512xf32>,
    return
  }
  func.func @transform_0(%arg0: i32) -> (i32, i32) {
    %c0_i32 = arith.constant 0 : i32
    %c0_i32_0 = arith.constant 0 : i32
    %c0_i32_1 = arith.constant 0 : i32
    return %c0_i32, %c0_i32_0 : i32, i32
  }
  func.func @transform_1(%arg0: i32) -> (i32, i32) {
    %c0_i32 = arith.constant 0 : i32
    %c0_i32_0 = arith.constant 0 : i32
    return %arg0, %c0_i32 : i32, i32
  }
  func.func @transform_2(%arg0: i32) -> (i32, i32) {
    %c0_i32 = arith.constant 0 : i32
    %c0_i32_0 = arith.constant 0 : i32
    %c0_i32_1 = arith.constant 0 : i32
    return %c0_i32, %c0_i32_0 : i32, i32
  }
  func.func @transform_3(%arg0: i32) -> (i32, i32) {
    %c0_i32 = arith.constant 0 : i32
    %c0_i32_0 = arith.constant 0 : i32
    return %c0_i32, %arg0 : i32, i32
  }
}

</mosaic_0001>

<sc_bundles>
// kernel: kernel.5.cloned.1.call-start
scs
__scs_entry_jumppad:
0x0: {  	(pc) =	sbr.rel $0x88, $3  }
0x1: {  	(tag) =	ssettag $0x0;
	lr =	simm.s32 $0x1  }
0x2: {  	[smem:$0x3F9B] =	sst lr;
	_ =	strace $0xD0000000  }
0x3: {  	_ = 	snop  }
0x4: {  	_ = 	snop  }
0x5: {  	_ = 	snop  }
0x6: {  	_ = 	snop  }
0x7: {  	_ = 	snop  }
__scs_overlays_trampoline_lowered:
0x8: {  	[smem:$0x3FAA] =	sst s0  }
0x9: {  	[smem:$0x3FAB] =	sst s1  }
0xa: {  	[smem:$0x3FAC] =	sst s2  }
0xb: {  	[smem:$0x3FAD] =	sst s3  }
0xc: {  	[smem:$0x3FAE] =	sst s4  }
0xd: {  	[smem:$0x3FAF] =	sst s5  }
0xe: {  	[smem:$0x3FB0] =	sst s6  }
0xf: {  	[smem:$0x3FB1] =	sst s7  }
0x10: {  	[smem:$0x3FB2] =	sst s8  }
0x11: {  	[smem:$0x3FB3] =	sst s9;
	s0 =	simm.s32 @!p0 $0x0  }
0x12: {  	s1 =	sld [smem:$0x3F99];
	s0 =	simm.s32 @p0 $0x1  }
0x13: {  	[smem:$0x3FB4] =	sst s0;
	s0 =	simm.s32 @!p1 $0x0  }
0x14: {  	s2 =	sld [smem:$0x3F98];
	s0 =	simm.s32 @p1 $0x1  }
0x15: {  	[smem:$0x3FB5] =	sst s0;
	s0 =	simm.s32 @!p2 $0x0  }
0x16: {  	s3 =	sld [smem:$0x3FDB];
	s0 =	simm.s32 @p2 $0x1  }
0x17: {  	s4 =	simm.s32 $0x1BF5;
	[smem:$0x3FB7] =	sst s0  }
0x18: {  	s0 =	sld [smem:$0x3F9A];
	_ =	swait.ge [sflag:s4], $0x0  }
0x19: {  	s7 =	sld [smem:$0x3F9B]  }
0x1a: {  	s8 =	sadd.s32 $0xFFFFE003, lr  }
0x1b: {  	s9 =	sadd.s32 $0xFFFFFEF7, lr;
	s5 =	simm.s32 $0xFFFFFFFF;
	p2 =	slt.u32 s8, $0xFFFFF086  }
0x1c: {  	p1 =	slt.u32 s9, $0xF7A;
	s5 =	simm.s32 @!p2 $0x0  }
0x1d: {  	s5 =	simm.s32 @p1 $0x1;
	p0 =	seq.s32 s7, s2  }
0x1e: {  	s7 =	smul.u32 @!p0 $0xF7A, s2;
	p2 =	seq.s32 @!p0 s5, $0x0  }
0x1f: {  	s9 =	smul.u32 $0xF7A, s1;
	s8 =	simm.s32 @!p0 $0x1BF5;
	p2 =	por !p2, p0  }
0x20: {  	[sflag:s8] =	ssyncset.s32 @!p0 $0xFFFFF086;
	s6 =	sadd.s32 @!p0 s3, s7;
	s7 =	simm.s32 @!p0 $0x108  }
0x21: {  	s3 =	sadd.s32 s3, s9;
	s6 =	sadd.s32 @!p0 $0x88, s6;
	s7 =	simm.s32 @p2 $0x1082  }
0x22: {  	[simem:s7], [sflag:s8] =	dma.local @!p0 [hbm:s6], $0xF7A  }
0x23: {  	s9 =	sor.u32 $0xD0000000, s2;
	s6 =	simm.s32 $0x108;
	_ =	swait.ge @!p0 [sflag:s8], $0x0  }
0x24: {  	s3 =	sadd.s32 $0x88, s3;
	s6 =	simm.s32 @!p1 $0x1082;
	[sflag:s4] =	ssyncset.s32 $0xFFFFF086  }
0x25: {  	[simem:s6], [sflag:s4] =	dma.local [hbm:s3], $0xF7A  }
0x26: {  	[smem:$0x3F9B] =	sst s1;
	(tag) =	ssettag s2;
	_ =	strace s9  }
0x27: {  	s1 =	sld [smem:$0x3FAB]  }
0x28: {  	s2 =	sld [smem:$0x3FAC]  }
0x29: {  	s4 =	sld [smem:$0x3FAE]  }
0x2a: {  	p0 =	seq.s32 s5, $0x0;
	s5 =	sld [smem:$0x3FAF]  }
0x2b: {  	s6 =	sld [smem:$0x3FB0]  }
0x2c: {  	s7 =	sld [smem:$0x3FB1]  }
0x2d: {  	s3 =	simm.s32 $0x108;
	s8 =	sld [smem:$0x3FB2]  }
0x2e: {  	s3 =	simm.s32 @!p0 $0x1082;
	s9 =	sld [smem:$0x3FB3]  }
0x2f: {  	lr =	sadd.s32 s0, s3;
	s0 =	sld [smem:$0x3FAA]  }
0x30: {  	s3 =	sld [smem:$0x3FAD]  }
0x31: {  	[smem:$0x3FB6] =	sst s10  }
0x32: {  	s10 =	sld [smem:$0x3FB4];
	_ =	sdelay $0x3  }
0x33: {  	p0 =	seq.s32 s10, $0x1;
	s10 =	sld [smem:$0x3FB6];
	_ =	sdelay $0x3  }
0x34: {  	[smem:$0x3FB6] =	sst s10  }
0x35: {  	s10 =	sld [smem:$0x3FB5];
	_ =	sdelay $0x3  }
0x36: {  	p1 =	seq.s32 s10, $0x1;
	s10 =	sld [smem:$0x3FB6];
	_ =	sdelay $0x3  }
0x37: {  	[smem:$0x3FB6] =	sst s10  }
0x38: {  	s10 =	sld [smem:$0x3FB7]  }
0x39: {  	_ = 	snop;
	(pc) =	sbr.ind lr, $3  }
0x3a: {  	_ = 	snop  }
0x3b: {  	_ = 	snop  }
0x3c: {  	p2 =	seq.s32 s10, $0x1;
	s10 =	sld [smem:$0x3FB6]  }
0x3d: {  	_ =	shalt  }
0x3e: {  	_ =	shalt  }
0x3f: {  	_ =	shalt  }
0x40: {  	_ =	shalt  }
0x41: {  	_ =	shalt  }
0x42: {  	_ =	shalt  }
0x43: {  	_ =	shalt  }
0x44: {  	_ =	shalt  }
0x45: {  	_ =	shalt  }
0x46: {  	_ =	shalt  }
0x47: {  	_ =	shalt  }
0x48: {  	_ =	shalt  }
0x49: {  	_ =	shalt  }
0x4a: {  	_ =	shalt  }
0x4b: {  	_ =	shalt  }
0x4c: {  	_ =	shalt  }
0x4d: {  	_ =	shalt  }
0x4e: {  	_ =	shalt  }
0x4f: {  	_ =	shalt  }
0x50: {  	_ =	shalt  }
0x51: {  	_ =	shalt  }
0x52: {  	_ =	shalt  }
0x53: {  	_ =	shalt  }
0x54: {  	_ =	shalt  }
0x55: {  	_ =	shalt  }
0x56: {  	_ =	shalt  }
0x57: {  	_ =	shalt  }
0x58: {  	_ =	shalt  }
0x59: {  	_ =	shalt  }
0x5a: {  	_ =	shalt  }
0x5b: {  	_ =	shalt  }
0x5c: {  	_ =	shalt  }
0x5d: {  	_ =	shalt  }
0x5e: {  	_ =	shalt  }
0x5f: {  	_ =	shalt  }
0x60: {  	_ =	shalt  }
0x61: {  	_ =	shalt  }
0x62: {  	_ =	shalt  }
0x63: {  	_ =	shalt  }
0x64: {  	_ =	shalt  }
0x65: {  	_ =	shalt  }
0x66: {  	_ =	shalt  }
0x67: {  	_ =	shalt  }
0x68: {  	_ =	shalt  }
0x69: {  	_ =	shalt  }
0x6a: {  	_ =	shalt  }
0x6b: {  	_ =	shalt  }
0x6c: {  	_ =	shalt  }
0x6d: {  	_ =	shalt  }
0x6e: {  	_ =	shalt  }
0x6f: {  	_ =	shalt  }
0x70: {  	_ =	shalt  }
0x71: {  	_ =	shalt  }
0x72: {  	_ =	shalt  }
0x73: {  	_ =	shalt  }
0x74: {  	_ =	shalt  }
0x75: {  	_ =	shalt  }
0x76: {  	_ =	shalt  }
0x77: {  	_ =	shalt  }
0x78: {  	_ =	shalt  }
0x79: {  	_ =	shalt  }
0x7a: {  	_ =	shalt  }
0x7b: {  	_ =	shalt  }
0x7c: {  	_ =	shalt  }
0x7d: {  	_ =	shalt  }
0x7e: {  	_ =	shalt  }
0x7f: {  	_ =	shalt  }
0x80: {  	_ =	shalt  }
0x81: {  	_ =	shalt  }
0x82: {  	_ =	shalt  }
0x83: {  	_ =	shalt  }
0x84: {  	_ =	shalt  }
0x85: {  	_ =	shalt  }
0x86: {  	_ =	shalt  }
0x87: {  	_ =	shalt  }
.Lfunc_end0:
.L_simem_size_0:
called_computation_lowered:
.L_overlay_start_0:
0x88: {  	s2 =	sld [smem:$0x3FD9]  }
0x89: {  	s3 =	sld [smem:$0x3FFE];
	_ =	sdelay $0x1  }
0x8a: {  	s1 =	srdreg.scid  }
0x8b: {  	s0 =	sand.u32 $0x1, s1  }
0x8c: {  	s16 =	sshll.u32 s0, $0xA;
	s2 =	sadd.s32 s3, s2  }
0x8d: {  	s2 =	sadd.s32 s2, s16  }
0x8e: {  	[smem:$0x3FC2] =	sst s2  }
0x8f: {  	_ = 	snop  }
0x90: {  	(tm) =	ssettm $0x1  }
0x91: {  	s17 =	sld [smem:$0x3FFB];
	_ =	sdelay $0x3  }
0x92: {  	_ =	strace s17  }
0x93: {  	s2 =	sld [smem:$0x3FFC];
	_ =	sdelay $0x3  }
0x94: {  	_ =	strace s2  }
0x95: {  	s2 =	sld [smem:$0x3FFD];
	_ =	sdelay $0x3  }
0x96: {  	_ =	strace s2  }
0x97: {  	_ =	strace $0x8FFFFFFF  }
0x98: {  	s18 =	sld [smem:$0x3FDB];
	_ =	sdelay $0x1  }
0x99: {  	s19 =	simm.s32 $_scs_section_size  }
0x9a: {  	s4 =	simm.s32 $_size__tile_overlayer_lowered;
	s5 =	simm.s32 $_tile_overlayer_lowered  }
0x9b: {  	s22 =	simm.s32 $0x1BFF;
	s21 =	sshll.u32 s5, $0x1;
	s2 =	sadd.s32 s19, s18  }
0x9c: {  	s6 =	simm.s32 $0x0;
	s20 =	sshll.u32 s4, $0x1;
	s4 =	sadd.s32 s21, s2  }
0x9d: {  	[timem:s6], [sflag:s22] =	dma.local [hbm:s4], s20  }
0x9e: {  	_ =	swait.ge [sflag:s22], s20  }
0x9f: {  	s3 =	ssub.s32 $0x0, s20;
	[sflag:s22] =	ssyncset.done $0x0  }
0xa0: {  	[sflag:s22] =	ssyncadd.s32 s3;
	_ =	sdelay $0x1  }
0xa1: {  	s23 =	simm.s32 $0x1B8B  }
0xa2: {  	_ =	swait.ge [sflag:s23], $0x1  }
0xa3: {  	[sflag:s23] =	ssyncset.done $0x0  }
0xa4: {  	s25 =	simm.s32 $0x1B8E;
	s24 =	sld [smem:$0x3FFE];
	[sflag:s23] =	ssyncadd.s32 $0xFFFFFFFF  }
0xa5: {  	s26 =	simm.s32 $execute0_lowered;
	[smem:$0x3FD2] =	sst s25  }
0xa6: {  	s4 =	sshll.u32 s26, $0x1;
	_ =	strace $0x80000046;
	[dreg:$0x1] =	wrdreg $0xFFFFFFFF  }
0xa7: {  	s28 =	simm.s32 $_size_execute0_lowered;
	s2 =	sadd.s32 s2, s4;
	[dreg:$0x0] =	wrdreg $0x0  }
0xa8: {  	s4 =	sshll.u32 s28, $0x1;
	[dreg:$0x2] =	wrdreg s2  }
0xa9: {  	[dreg:$0x3] =	wrdreg s4  }
0xaa: {  	[dreg:$0x4] =	wrdreg $0xC0  }
0xab: {  	_ =	task [dreg:s6], $0x5FFFF  }
0xac: {  	[dreg:$0x1] =	wrdreg $0xFFFFFFFF  }
0xad: {  	[dreg:$0x0] =	wrdreg $0x60  }
0xae: {  	[dreg:$0x2] =	wrdreg s24  }
0xaf: {  	[dreg:$0x3] =	wrdreg $0x9  }
0xb0: {  	_ =	task.clear_ibuf [dreg:s6], $0x4FFFF;
	_ =	strace $0x90000046  }
0xb1: {  	s29 =	simm.s32 $0x9;
	_ =	strace $0x80000048  }
0xb2: {  	_ =	swait.ge [sflag:s29], $0x1  }
0xb3: {  	[sflag:s29] =	ssyncadd.s32 $0xFFFFFFFF  }
0xb4: {  	_ =	strace $0x90000048  }
0xb5: {  	_ =	sfence  }
0xb6: {  	s30 =	sld [smem:$0x0];
	_ =	sdelay $0x2  }
0xb7: {  	s31 =	sshll.u32 s1, $0xD;
	s1 =	sshrl.u32 s1, $0x2  }
0xb8: {  	s3 =	sand.u32 $0x4000, s31;
	s1 =	sadd.s32 s1, s30  }
0xb9: {  	s0 =	sor.u32 s3, s0;
	s1 =	sshll.u32 s1, $0x11  }
0xba: {  	s0 =	sor.u32 s1, s0  }
0xbb: {  	s0 =	sadd.s32 $0x8F2B, s0  }
0xbc: {  	[sflag:s0] =	ssyncadd.remote.s32 $0x1  }
0xbd: {  	_ =	sfence.sel $0xFFFF  }
0xbe: {  	[dreg:$0x0] =	wrdreg $0xFFFFFFFF;
	(pc) =	sbr.abs _section_cstart, $3  }
0xbf: {  	[dreg:$0x1] =	wrdreg $0xFFFFFFFF  }
0xc0: {  	_ =	task.clear_ibuf [dreg:s6], $0x2FFFF;
	_ =	strace $0x9FFFFFFF  }
0xc1: {  	(tm) =	ssettm $0x7FFFFFFF  }
tec
execute0_lowered:
.L_overlay_start_1:
0x0: {  	(tag) =	ssettag $0x1  }
0x1: {  	s6 =	rddreg [dreg:$0x0]  }
0x2: {  	s0 =	rddreg [dreg:$0x1]  }
0x3: {  	s2 =	simm.s32 $0x0;
	s3 =	srdreg.scid;
	s1 =	stileid.u32  }
0x4: {  	s12 =	simm.s32 $0x400;
	s13 =	simm.s32 $0x2;
	s14 =	simm.s32 $0x18700  }
0x5: {  	s15 =	simm.s32 $0x18900;
	s16 =	simm.s32 $0x18980;
	s17 =	simm.s32 $0x1  }
0x6: {  	s18 =	simm.s32 $0x18780;
	s19 =	simm.s32 $0x18800;
	s20 =	simm.s32 $0x18880  }
0x7: {  	s21 =	simm.s32 $0x18A00;
	s22 =	simm.s32 $0x0;
	[smem:$0x7FF] =	sst s2  }
0x8: {  	s5 =	sand.u32 $0x1, s3;
	s4 =	sshll.u32 s1, $0x1;
	s3 =	sadd.s32 $0x1600, s6  }
0x9: {  	_ =	strace $0x80000047;
	s7 =	sor.u32 s5, s4;
	s9 =	ssub.s32 $0x2, s5  }
0xa: {  	s4 =	sadd.s32 $0x188600, s6;
	s8 =	sshll.u32 s7, $0x4;
	s31 =	sshrl.u32 s9, $0x1  }
0xb: {  	s5 =	sadd.s32 $0x30FE00, s6;
	s10 =	sadd.s32 s8, s6;
	s11 =	ssub.s32 s9, s31  }
0xc: {  	s6 =	sshll.u32 s7, $0x2;
	s7 =	smul.u32 $0xC3800, s1;
	s8 =	sshll.u32 s1, $0xA  }
0xd: {  	v0 =	vimm.f32 $-1.000000020e+30;
	v1 =	vlaneseq.u32;
	v2 =	vimm.s32 $0x0;
	s9 =	sadd.s32 $0x1200, s10;
	s10 =	smax.u32 s11, $0x1;
	s11 =	simm.s32 $0x80  }
.LBB2_1:
0xe: {  	v3 =	vimm.s32 $0x0;
	s23 =	simm.s32 $0x0  }
.LBB2_2:
0xf: {  	s24 =	sadd.s32 s6, s23  }
0x10: {  	s25 =	sshll.u32 s24, $0x7  }
0x11: {  	s26 =	sand.u32 $0x380, s25  }
0x12: {  	s25 =	sor.u32 s7, s26  }
0x13: {  	s25 =	sshrl.u32 s25, $0x3  }
0x14: {  	s28 =	sadd.s32 s3, s25;
	s25 =	simm.s32 $0x0  }
0x15: {  	[tilespmem:s25], [sflag:$0x2] =	stream.strided.gather [hbm4b:s28+s11], $0x18700, s12, s11, $0x38;
	[tilespmem:$0x18A80] =	vst v63  }
0x16: {  	s26 =	sor.u32 s8, s26;
	_ =	swait.ge [sflag:s13], $0x18700  }
0x17: {  	s26 =	sshrl.u32 s26, $0x3;
	[sflag:s13] =	ssyncset.done $0x0  }
0x18: {  	s26 =	sadd.s32 s4, s26;
	[sflag:s13] =	ssyncadd.s32 $0xFFFE7900  }
0x19: {  	[tilespmem:s14], [sflag:$0x2] =	stream.linear.gather [hbm4b:s26+s25], $0x80, $0x38;
	[tilespmem:$0x18A80] =	vst v63  }
0x1a: {  	_ =	swait.ge [sflag:s13], $0x80  }
0x1b: {  	[sflag:s13] =	ssyncset.done $0x0  }
0x1c: {  	[sflag:s13] =	ssyncadd.s32 $0xFFFFFF80  }
0x1d: {  	v4 =	vimm.s32 $0x0;
	[tilespmem:$0x18780] =	vst v0  }
0x1e: {  	[tilespmem:$0x18800] =	vst v4  }
0x1f: {  	[tilespmem:$0x18790] =	vst v0  }
0x20: {  	[tilespmem:$0x18810] =	vst v4  }
0x21: {  	[tilespmem:$0x187A0] =	vst v0  }
0x22: {  	[tilespmem:$0x18820] =	vst v4  }
0x23: {  	[tilespmem:$0x187B0] =	vst v0  }
0x24: {  	[tilespmem:$0x18830] =	vst v4  }
0x25: {  	[tilespmem:$0x187C0] =	vst v0  }
0x26: {  	vm0 =	vlt.s32 v4, $0x70;
	[tilespmem:$0x18840] =	vst v4  }
0x27: {  	v5 =	vnsel vm0, $0x70, v4;
	[tilespmem:$0x187D0] =	vst v0  }
0x28: {  	(v2sf) =	vpush v5, $0x0;
	[tilespmem:$0x18850] =	vst v4  }
0x29: {  	[tilespmem:$0x187E0] =	vst v0  }
0x2a: {  	[tilespmem:$0x18860] =	vst v4  }
0x2b: {  	[tilespmem:$0x187F0] =	vst v0  }
0x2c: {  	v8 =	vld [tilespmem:$0x18700];
	[tilespmem:$0x18870] =	vst v4  }
0x2d: {  	v10 =	vld [tilespmem:s25+$0x0];
	_ =	sdelay $0x4  }
0x2e: {  	vm0 =	vge.f32 v10, v8  }
0x2f: {  	v5 =	vmpcnt.ones.xlane vm0;
	_ =	sdelay $0x1  }
0x30: {  	v6 =	vld [tilespmem:$0x18710];
	v9 =	vadd.s32 v4, v5  }
0x31: {  	v7 =	vld [tilespmem:$0x18720];
	vm1 =	vlt.s32 v9, $0x70  }
0x32: {  	v4 =	vld [tilespmem:$0x18730];
	v11 =	vnsel vm1, $0x70, v9;
	s29 =	spop (v2sf)  }
0x33: {  	s28 =	simm.s32 $0x20;
	s26 =	simm.s32 $0x10;
	v5 =	vld [tilespmem:$0x18740];
	(v2sf) =	vpush v11, $0x0;
	[tilespmem:s29+$0x18780] =	vst.msk vm0, v10;
	v10 =	vor.u32 s25, v1  }
.LBB2_3:
0x34: {  	p0 =	sne.s32 s28, $0x18690  }
0x35: {  	[tilespmem:s29+$0x18800] =	vst.msk vm0, v10;
	s25 =	sadd.s32 $0x10, s25;
	s30 =	smov.u32 s28;
	s28 =	sadd.s32 $0x10, s28  }
0x36: {  	_ = 	snop  }
0x37: {  	v10 =	vld [tilespmem:s25+$0x0];
	_ =	sdelay $0x4  }
0x38: {  	vm0 =	vge.f32 v10, v8  }
0x39: {  	v11 =	vmpcnt.ones.xlane vm0;
	_ =	sdelay $0x1  }
.Ltmp0:
0x3a: {  	v9 =	vadd.s32 v9, v11;
	(pc) =	sbr.rel @p0 .LBB2_3-.Ltmp0, $4  }
0x3b: {  	vm1 =	vlt.s32 v9, $0x70  }
0x3c: {  	v11 =	vnsel vm1, $0x70, v9  }
0x3d: {  	(v2sf) =	vpush v11, $0x0;
	s29 =	spop (v2sf)  }
0x3e: {  	[tilespmem:s29+$0x18780] =	vst.msk vm0, v10;
	v10 =	vor.u32 s26, v1;
	s26 =	smov.u32 s30  }
0x3f: {  	_ =	sdelay $0x6  }
0x40: {  	[tilespmem:s29+$0x18800] =	vst.msk vm0, v10;
	s25 =	sadd.s32 $0x10, s25  }
0x41: {  	v9 =	vld [tilespmem:s25+$0x0];
	_ =	sdelay $0x4  }
0x42: {  	vm15 =	vge.f32 v9, v8;
	s31 =	spop (v2sf)  }
0x43: {  	v8 =	vor.u32 s26, v1;
	[tilespmem:s31+$0x18780] =	vst.msk vm15, v9  }
0x44: {  	[tilespmem:s31+$0x18800] =	vst.msk vm15, v8  }
0x45: {  	v8 =	vld [tilespmem:$0x18780];
	_ =	sdelay $0x1  }
0x46: {  	v9 =	vld [tilespmem:$0x18790];
	_ =	sdelay $0x2  }
0x47: {  	v8 =	vsub.f32 v8, v6  }
0x48: {  	v10 =	vld [tilespmem:$0x187A0]  }
0x49: {  	v9 =	vsub.f32 v9, v6;
	v8 =	vmul.f32 $1.442695020e+00, v8  }
0x4a: {  	(erf) = vrcp.f32 v7;
	v11 =	vld [tilespmem:$0x187B0]  }
0x4b: {  	v7 =	vmul.f32 $1.442695020e+00, v9;
	(erf) = vpow2.f32 v8;
	v8 =	vld [tilespmem:$0x187C0];
	_ =	sdelay $0x1  }
0x4c: {  	v48 =	vsub.f32 v10, v6;
	(erf) = vpow2.f32 v7;
	v7 =	vld [tilespmem:$0x187D0];
	_ =	sdelay $0x1  }
0x4d: {  	v50 =	vld [tilespmem:$0x187E0];
	v49 =	vsub.f32 v11, v6;
	v9 =	vmul.f32 $1.442695020e+00, v48  }
0x4e: {  	v8 =	vsub.f32 v8, v6  }
0x4f: {  	v51 =	vmul.f32 $1.442695020e+00, v49;
	(erf) = vpow2.f32 v9  }
0x50: {  	v52 =	vld [tilespmem:$0x187F0];
	v7 =	vsub.f32 v7, v6;
	v8 =	vmul.f32 $1.442695020e+00, v8  }
0x51: {  	(erf) = vpow2.f32 v51  }
0x52: {  	v53 =	vpop (erf);
	v12 =	vld [tilespmem:$0x18800];
	v7 =	vmul.f32 $1.442695020e+00, v7;
	(erf) = vpow2.f32 v8;
	v8 =	vsub.f32 v50, v6;
	_ =	sdelay $0x1  }
0x53: {  	v55 =	vld [tilespmem:$0x18810];
	v8 =	vmul.f32 $1.442695020e+00, v8  }
0x54: {  	s24 =	smul.u32 $0x186A0, s24;
	v13 =	vpop (erf);
	v6 =	vsub.f32 v52, v6  }
0x55: {  	v56 =	vld [tilespmem:$0x18820];
	(erf) = vpow2.f32 v7;
	v7 =	vpop (erf)  }
0x56: {  	v57 =	vadd.s32 s24, v12;
	v6 =	vmul.f32 $1.442695020e+00, v6;
	v7 =	vmul.f32 v7, v53  }
0x57: {  	[tilespmem:$0x18900] =	vst v57;
	(erf) = vpow2.f32 v8;
	v8 =	vpop (erf)  }
0x58: {  	v58 =	vld [tilespmem:$0x18830];
	[tilespmem:$0x18890] =	vst v7;
	v7 =	vadd.s32 s24, v55;
	v8 =	vmul.f32 v8, v53  }
0x59: {  	[tilespmem:$0x18910] =	vst v7;
	v7 =	vld [tilespmem:$0x18840]  }
0x5a: {  	v54 =	vmul.f32 v13, v53;
	(erf) = vpow2.f32 v6;
	v6 =	vpop (erf);
	[tilespmem:$0x188A0] =	vst v8;
	v8 =	vadd.s32 s24, v56  }
0x5b: {  	v6 =	vmul.f32 v6, v53;
	[tilespmem:$0x18920] =	vst v8;
	v8 =	vld [tilespmem:$0x18850]  }
0x5c: {  	[tilespmem:$0x18880] =	vst v54  }
0x5d: {  	v59 =	vpop (erf);
	[tilespmem:$0x188B0] =	vst v6;
	v6 =	vadd.s32 s24, v58  }
0x5e: {  	v10 =	vmul.f32 v59, v53;
	v60 =	vpop (erf);
	[tilespmem:$0x18930] =	vst v6;
	v6 =	vld [tilespmem:$0x18860];
	v7 =	vadd.s32 s24, v7  }
0x5f: {  	v61 =	vmul.f32 v60, v53;
	[tilespmem:$0x18940] =	vst v7;
	v7 =	vld [tilespmem:$0x18870]  }
0x60: {  	[tilespmem:$0x188C0] =	vst v10;
	v62 =	vpop (erf);
	v8 =	vadd.s32 s24, v8  }
0x61: {  	[tilespmem:$0x188D0] =	vst v61;
	v63 =	vmul.f32 v62, v53  }
0x62: {  	[tilespmem:$0x18950] =	vst v8  }
0x63: {  	[tilespmem:$0x188E0] =	vst v63;
	v6 =	vadd.s32 s24, v6;
	v8 =	vpop (erf)  }
0x64: {  	[tilespmem:$0x18960] =	vst v6;
	v6 =	vadd.s32 s24, v7;
	v8 =	vmul.f32 v8, v53  }
0x65: {  	[tilespmem:$0x18970] =	vst v6  }
0x66: {  	[tilespmem:$0x188F0] =	vst v8  }
0x67: {  	[tilespmem:s16], [sflag:$0x1] =	stream.indirect.gather [hbm4b:s5+s11], $0x1, s15, s11, $0xb8;
	[tilespmem:$0x18A80] =	vst v63  }
0x68: {  	_ =	swait.ge [sflag:s17], $0x80  }
0x69: {  	v5 =	vtrunc.f32 v5;
	[sflag:s17] =	ssyncset.done $0x0  }
0x6a: {  	v5 =	vcvt.f32.s32 v5;
	s25 =	simm.s32 $0x0;
	s24 =	simm.s32 $0x0;
	v7 =	vimm.s32 $0x0;
	v6 =	vimm.f32 $-1.000000020e+30;
	[sflag:s17] =	ssyncadd.s32 $0xFFFFFF80  }
.LBB2_5:
0x6b: {  	v10 =	vmov s24;
	_ =	sdelay $0x1  }
0x6c: {  	s26 =	sshll.u32 s25, $0x4  }
0x6d: {  	v9 =	vld [tilespmem:s26+$0x18780]  }
0x6e: {  	s28 =	simm.s32 $0x1;
	v8 =	vld [tilespmem:s26+$0x18800]  }
0x6f: {  	v14 =	vmov s28;
	v17 =	vld.idx.msk [tilespmem:v10+s18+$0x0], $0xffff  }
0x70: {  	v15 =	vld.idx.msk [tilespmem:v10+s19+$0x0], $0xffff;
	_ =	sdelay $0x2  }
0x71: {  	v16 =	vmov v14;
	v12 =	vld.idx.msk [tilespmem:v10+s20+$0x0], $0xffff  }
0x72: {  	v11 =	vimm.f32 $0.0e+00;
	s28 =	simm.s32 $0x2;
	v10 =	vimm.s32 $0x0;
	v13 =	vld.idx.msk [tilespmem:v14+s18+$0x0], $0xffff  }
.LBB2_6:
0x73: {  	vm0 =	veq.f32 v17, v9;
	vm1 =	vlt.s32 v15, v8;
	v15 =	vld.idx.msk [tilespmem:v14+s19+$0x0], $0xffff;
	v14 =	vmov s28;
	p0 =	sne.s32 s28, $0x7F  }
.Ltmp1:
0x74: {  	s28 =	sadd.s32 $0x1, s28;
	vm2 =	vgt.f32 v17, v9;
	vm0 =	vmand vm0, vm1;
	(pc) =	sbr.rel @p0 .LBB2_6-.Ltmp1, $4  }
0x75: {  	vm0 =	vmor vm2, vm0  }
0x76: {  	v19 =	vsel vm0, $0x1, v2;
	v18 =	vnsel vm0, $0x0, v12;
	v12 =	vld.idx.msk [tilespmem:v16+s20+$0x0], $0xffff;
	v16 =	vmov v14  }
0x77: {  	v10 =	vadd.s32 v19, v10;
	v11 =	vadd.f32 v18, v11  }
0x78: {  	v17 =	vmov v13;
	v13 =	vld.idx.msk [tilespmem:v14+s18+$0x0], $0xffff  }
0x79: {  	_ =	sdelay $0x3  }
0x7a: {  	v14 =	vld.idx.msk [tilespmem:v14+s19+$0x0], $0xffff;
	_ =	sdelay $0x2  }
0x7b: {  	vm0 =	veq.f32 v17, v9;
	vm1 =	vlt.s32 v15, v8;
	v58 =	vld.idx.msk [tilespmem:v16+s20+$0x0], $0xffff  }
0x7c: {  	vm2 =	vgt.f32 v17, v9;
	vm0 =	vmand vm0, vm1  }
0x7d: {  	vm0 =	vmor vm2, vm0;
	vm11 =	veq.f32 v13, v9;
	vm12 =	vlt.s32 v14, v8  }
0x7e: {  	v59 =	vld [tilespmem:s26+$0x18980];
	v12 =	vnsel vm0, $0x0, v12;
	vm13 =	vgt.f32 v13, v9;
	vm1 =	vmand vm11, vm12  }
0x7f: {  	v11 =	vadd.f32 v12, v11;
	vm1 =	vmor vm13, vm1  }
0x80: {  	v60 =	vsel vm0, $0x1, v2;
	v61 =	vnsel vm1, $0x0, v58  }
0x81: {  	s25 =	sadd.s32 $0x1, s25;
	v10 =	vadd.s32 v60, v10;
	v62 =	vsel vm1, $0x1, v2;
	v11 =	vadd.f32 v61, v11  }
0x82: {  	p0 =	sne.s32 s25, $0x8;
	v10 =	vadd.s32 v62, v10  }
.Ltmp2:
0x83: {  	v63 =	vadd.f32 v59, v9;
	vm14 =	vlt.s32 v10, v5;
	vm15 =	vle.f32 v11, v4;
	(pc) =	sbr.rel @p0 .LBB2_5-.Ltmp2, $4  }
0x84: {  	vm0 =	vmand vm14, vm15  }
0x85: {  	v9 =	vnsel vm0, $0xF149F2CA, v63  }
0x86: {  	vm0 =	vgt.f32 v9, v6  }
0x87: {  	v6 =	vsel vm0, v9, v6;
	v7 =	vsel vm0, v8, v7  }
0x88: {  	(xrf1) =	vsort.dscd.msk.f32 $0xffff, v6, v7;
	_ =	sdelay $0xa  }
0x89: {  	v5 =	vmov s23;
	s23 =	sadd.s32 $0x1, s23  }
0x8a: {  	p0 =	sne.s32 s23, $0x4  }
.Ltmp3:
0x8b: {  	_ = 	snop;
	(pc) =	sbr.rel @p0 .LBB2_2-.Ltmp3, $4  }
0x8c: {  	_, v4, _ =	vpop (xrf1)  }
0x8d: {  	v4 =	vbroadcast v4, $0x0  }
0x8e: {  	vm0 =	veq.s32 v5, v1  }
0x8f: {  	v3 =	vsel vm0, v4, v3  }
0x90: {  	s22 =	sadd.s32 $0x1, s22  }
0x91: {  	p0 =	sne.s32 s22, s10  }
.Ltmp4:
0x92: {  	[tilespmem:$0x18A00] =	vst v3;
	(pc) =	sbr.rel @p0 .LBB2_1-.Ltmp4, $4  }
0x93: {  	[hbm4b:s9+s2] =	stream.linear.scatter [tilespmem:s21], [sflag:$0x2], $0x80, $0x38;
	[tilespmem:$0x18A80] =	vst v63  }
0x94: {  	_ =	swait.ge [sflag:s13], $0x80  }
0x95: {  	[sflag:s13] =	ssyncset.done $0x0  }
0x96: {  	[sflag:s13] =	ssyncadd.s32 $0xFFFFFF80  }
0x97: {  	_ =	sfence.sel $0x180000  }
0x98: {  	[bflag:$0x0] =	sbarrier.arrive $0xFFFF  }
0x99: {  	p0 =	sne.s32 s1, $0x0;
	_ =	strace $0x90000047  }
0x9a: {  	s0 =	sadd.s32 @!p0 $0x100000, s0;
	[bflag:$0x2] =	sbarrier.arrive $0xFFFF  }
0x9b: {  	[sflag:s0] =	ssyncadd.tile.s32 @!p0 $0x1;
	_ =	shalt  }
.Lfunc_end2:
_tile_overlayer_lowered:
.L_overlay_start_2:
0x9c: {  	(tag) =	ssettag $0x2  }
0x9d: {  	s0 =	rddreg [dreg:$0x0];
	s2 =	stileid.u32  }
0x9e: {  	s1 =	rddreg [dreg:$0x1];
	p0 =	sne.s32 s2, $0x0  }
0x9f: {  	s3 =	rddreg [dreg:$0x2];
	[bflag:$0x3] =	sbarrier.arrive $0xFFFF;
	s2 =	simm.s32 @!p0 $0x1C02  }
0xa0: {  	[timem:s3], [sflag:s2] =	dma.local @!p0 [hbm:s0], s1  }
0xa1: {  	s0 =	simm.s32 @!p0 $0x2  }
0xa2: {  	_ =	swait.ge @!p0 [sflag:s0], s1  }
0xa3: {  	s1 =	ssub.s32 @!p0 $0x0, s1;
	[sflag:s0] =	ssyncset.done @!p0 $0x0  }
0xa4: {  	[sflag:s0] =	ssyncadd.s32 @!p0 s1  }
0xa5: {  	[bflag:$0x3] =	sbarrier.arrive $0xFFFF  }
0xa6: {  	_ =	shalt  }

</sc_bundles>
